<compile_context>
chip_gen: v7x
topology: tpu7x:2x2x1
jax: 0.10.2.dev20260603
libtpu: 0.0.44.dev20260713+nightly
codegen_flags: <defaults>
</compile_context>

<pallas_src>
import functools

import jax
import jax.numpy as jnp
import numpy as np
from jax import lax
from jax.experimental import pallas as pl
from jax.experimental.pallas import tpu as pltpu
from jax.experimental.pallas import tpu_sc as plsc

_ITEM_Z = np.array(
    [1, 1, 1, 0, 1, 1, 1, 1, 1, 1, 0, 1, 1, 1, 1, 1,
     1, 0, 1, 1, 1, 1, 1, 1, 0, 1, 1, 1, 1, 1, 1, 1],
    dtype=np.int64,
)
_INPUTS_PER_ITEM = 64
_N_ITEMS = _ITEM_Z.size
_OUT_FEATURES = _N_ITEMS * _INPUTS_PER_ITEM
_N_ACTIVE = int(_ITEM_Z.sum())
_ZERO_OUT_IDX = np.array([0, 63, 100, 511, 1024, 1500, 2047], dtype=np.int64)

_ZERO_SLOT = _N_ACTIVE
_WP_PAD = 32

_rank_of_item = np.cumsum(_ITEM_Z) - 1
_IDX_MAP = np.where(
    np.repeat(_ITEM_Z, _INPUTS_PER_ITEM) == 1,
    np.repeat(_rank_of_item, _INPUTS_PER_ITEM),
    _ZERO_SLOT,
).astype(np.int32)
_IDX_MAP[_ZERO_OUT_IDX] = _ZERO_SLOT

_ROW_BLOCK = 1024

_SC_INFO = plsc.get_sparse_core_info()
_NC, _NS, _L = 1, _SC_INFO.num_subcores, _SC_INFO.num_lanes
_NW = _NC * _NS
_PER_W = _OUT_FEATURES // _NW
_VREGS_PER_W = _PER_W // _L


def _sc_scatter_body(wp_hbm, idx_hbm, w_hbm, wp_v, idx_v, w_v):
    wid = lax.axis_index("s") * _NC + lax.axis_index("c")
    base = wid * _PER_W
    pltpu.sync_copy(wp_hbm, wp_v.at[pl.ds(0, _N_ACTIVE)])
    pltpu.sync_copy(idx_hbm.at[pl.ds(base, _PER_W)], idx_v)
    lane = lax.iota(jnp.int32, _L)
    tail = wp_v[pl.ds(_L, _L)]
    wp_v[pl.ds(_L, _L)] = jnp.where(lane < _N_ACTIVE - _L, tail, 0.0)
    for j in range(_VREGS_PER_W):
        idxs = idx_v[pl.ds(j * _L, _L)]
        w_v[pl.ds(j * _L, _L)] = plsc.load_gather(wp_v, [idxs])
    pltpu.sync_copy(w_v, w_hbm.at[pl.ds(base, _PER_W)])


def _sc_scatter(wp_padded, idx_map):
    mesh = plsc.VectorSubcoreMesh(
        core_axis_name="c", subcore_axis_name="s", num_cores=_NC
    )
    return pl.kernel(
        _sc_scatter_body,
        mesh=mesh,
        out_type=jax.ShapeDtypeStruct((_OUT_FEATURES,), jnp.float32),
        scratch_types=[
            pltpu.VMEM((_WP_PAD,), jnp.float32),
            pltpu.VMEM((_PER_W,), jnp.int32),
            pltpu.VMEM((_PER_W,), jnp.float32),
        ],
        compiler_params=pltpu.CompilerParams(needs_layout_passes=False),
    )(wp_padded, idx_map)


_E = np.zeros((_N_ACTIVE, _OUT_FEATURES), dtype=np.float32)
for _i in range(_N_ITEMS):
    if _ITEM_Z[_i]:
        _E[_rank_of_item[_i], _i * _INPUTS_PER_ITEM:(_i + 1) * _INPUTS_PER_ITEM] = 1.0
_E[:, _ZERO_OUT_IDX] = 0.0

_HEAD_BLOCKS = 2
_HEAD_ROWS = _HEAD_BLOCKS * _ROW_BLOCK


def _mul_head_body(wp_ref, e_ref, x_ref, o_ref):
    w = jnp.dot(wp_ref[...], e_ref[...], preferred_element_type=jnp.float32)
    o_ref[...] = x_ref[...] * w


def _mul_tail_body(prev_ref, w_ref, x_ref, o_ref):
    del prev_ref
    o_ref[...] = x_ref[...] * w_ref[...]


@jax.jit
def kernel(x, weight_param):
    batch, feats = x.shape
    w = _sc_scatter(weight_param, jnp.asarray(_IDX_MAP)).reshape(1, feats)
    head = pl.pallas_call(
        _mul_head_body,
        grid=(_HEAD_BLOCKS,),
        in_specs=[
            pl.BlockSpec((1, _N_ACTIVE), lambda i: (0, 0)),
            pl.BlockSpec((_N_ACTIVE, feats), lambda i: (0, 0)),
            pl.BlockSpec((_ROW_BLOCK, feats), lambda i: (i, 0)),
        ],
        out_specs=pl.BlockSpec((_ROW_BLOCK, feats), lambda i: (i, 0)),
        out_shape=jax.ShapeDtypeStruct((batch, feats), x.dtype),
    )(weight_param.reshape(1, _N_ACTIVE), jnp.asarray(_E), x)
    def _x_map(i):
        return (i + _HEAD_BLOCKS, 0)

    tail_grid = (batch // _ROW_BLOCK - _HEAD_BLOCKS,)
    return pl.pallas_call(
        _mul_tail_body,
        grid=tail_grid,
        in_specs=[
            pl.BlockSpec(memory_space=pl.ANY),
            pl.BlockSpec((1, feats), lambda i: (0, 0)),
            pl.BlockSpec((_ROW_BLOCK, feats), _x_map),
        ],
        out_specs=pl.BlockSpec((_ROW_BLOCK, feats), _x_map),
        out_shape=jax.ShapeDtypeStruct((batch, feats), x.dtype),
        input_output_aliases={0: 0},
    )(head, w, x)

# --- scband reference (transcript-rebuilt; emitter-appended) ---
"""Pipeline reference for scband-negation-layer-68272800137834 (READ-ONLY COPY).

The authoritative reference and input builder live on the scoring server;
editing this copy changes nothing except your own understanding.
"""

import jax, jax.numpy as jnp
import numpy as np

ITEM_Z = np.array([1,1,1,0,1,1,1,1,1,1,0,1,1,1,1,1,1,0,1,1,1,1,1,1,0,1,1,1,1,1,1,1], dtype=np.int64)
INPUTS_PER_ITEMS = 64
N_ITEMS = ITEM_Z.size
OUT_FEATURES = N_ITEMS * INPUTS_PER_ITEMS
N_ACTIVE = int(ITEM_Z.sum())
ZERO_OUT_IDX = np.array([0, 63, 100, 511, 1024, 1500, 2047], dtype=np.int64)
BATCH = 16384


def setup_inputs(seed: int = 0) -> dict:
    key = jax.random.key(seed)
    k1, k2 = jax.random.split(key)
    x = jax.random.normal(k1, (BATCH, OUT_FEATURES), dtype=jnp.float32)
    # learned parameter: one weight per item with item_z_relationship == 1
    weight_param = jax.random.normal(k2, (N_ACTIVE,), dtype=jnp.float32) * 0.1
    return {"x": x, "weight_param": weight_param}


def reference(x, weight_param):
    # zero_weights: True where the item/latent relationship is constrained to 0
    zero_weights = jnp.repeat(jnp.asarray(1 - ITEM_Z), INPUTS_PER_ITEMS).astype(bool)
    # scatter the trainable weights into the full-length weight vector (rest stay 0)
    active_idx = jnp.nonzero(~zero_weights, size=N_ACTIVE * INPUTS_PER_ITEMS)[0]
    weight = jnp.zeros((OUT_FEATURES,), dtype=x.dtype)
    weight = weight.at[active_idx].set(jnp.repeat(weight_param, INPUTS_PER_ITEMS))
    # x[:, zero_outputs] = 0.0  (scatter-overwrite of selected output columns)
    x = x.at[:, jnp.asarray(ZERO_OUT_IDX)].set(0.0)
    # x.multiply_(weight)
    return x * weight

if __name__ == "__main__":
    import jax
    _d = setup_inputs()
    print(jax.jit(kernel)(*tuple(_d.values())))

</pallas_src>

<mosaic_0001>
#map = affine_map<(d0, d1) -> (0)>
module attributes {stable_mosaic.version = 14 : i64} {
  func.func @_sc_scatter_body(%arg0: i32, %arg1: i32, %arg2: memref<28xf32, #tpu.memory_space<hbm>>, %arg3: memref<2048xi32, #tpu.memory_space<hbm>>, %arg4: memref<2048xf32, #tpu.memory_space<hbm>>, %arg5: memref<32xf32, #tpu.memory_space<vmem>>, %arg6: memref<128xi32, #tpu.memory_space<vmem>>, %arg7: memref<128xf32, #tpu.memory_space<vmem>>) attributes {dimension_semantics = [#tpu.dimension_semantics<core_parallel>, #tpu.dimension_semantics<subcore_parallel>], iteration_bounds = array<i64: 1, 16>, scalar_prefetch = 0 : i64, scratch_operands = 3 : i64, tpu.core_type = #tpu.core_type<sc_vector_subcore>, window_params = [{transform_indices = #map}, {transform_indices = #map}, {transform_indices = #map}]} {
    %mul3A = arith.constant 1 : i32
    %mul3A_0 = arith.muli %arg1, %mul3A : i32
    %add3A = arith.addi %mul3A_0, %arg0 : i32
    %mul3A_1 = arith.constant 128 : i32
    %mul3A_2 = arith.muli %add3A, %mul3A_1 : i32
    "tpu.region"() ({
      %run_scoped3A = tpu.sem_alloc : memref<!tpu.dma_semaphore, #tpu.memory_space<semaphore_mem>>
      %dma_start3A = arith.constant 0 : i32
      %dma_start3A_46 = tpu.memref_slice %arg5[%dma_start3A] : memref<32xf32, #tpu.memory_space<vmem>> -> memref<28xf32, #tpu.memory_space<vmem>>
      %dma_start3A_47 = arith.constant 0 : i32
      %dma_start3A_48 = tpu.memref_slice %arg5[%dma_start3A_47] : memref<32xf32, #tpu.memory_space<vmem>> -> memref<28xf32, #tpu.memory_space<vmem>>
      tpu.enqueue_dma source(%arg2 : memref<28xf32, #tpu.memory_space<hbm>>) target(%dma_start3A_48 : memref<28xf32, #tpu.memory_space<vmem>>) target_semaphore(%run_scoped3A : memref<!tpu.dma_semaphore, #tpu.memory_space<semaphore_mem>>)
      %dma_wait3A = arith.constant 0 : i32
      %dma_wait3A_49 = tpu.memref_slice %arg5[%dma_wait3A] : memref<32xf32, #tpu.memory_space<vmem>> -> memref<28xf32, #tpu.memory_space<vmem>>
      %dma_wait3A_50 = arith.constant 0 : i32
      %dma_wait3A_51 = tpu.memref_slice %arg5[%dma_wait3A_50] : memref<32xf32, #tpu.memory_space<vmem>> -> memref<28xf32, #tpu.memory_space<vmem>>
      tpu.wait_dma2 semaphore(%run_scoped3A : memref<!tpu.dma_semaphore, #tpu.memory_space<semaphore_mem>>) src(%arg2 : memref<28xf32, #tpu.memory_space<hbm>>) dst(%dma_wait3A_51 : memref<28xf32, #tpu.memory_space<vmem>>)
      tpu.yield
    }) : () -> ()
    "tpu.region"() ({
      %run_scoped3A = tpu.sem_alloc : memref<!tpu.dma_semaphore, #tpu.memory_space<semaphore_mem>>
      %dma_start3A = tpu.memref_slice %arg3[%mul3A_2] : memref<2048xi32, #tpu.memory_space<hbm>> -> memref<128xi32, #tpu.memory_space<hbm>>
      %dma_start3A_46 = tpu.memref_slice %arg3[%mul3A_2] : memref<2048xi32, #tpu.memory_space<hbm>> -> memref<128xi32, #tpu.memory_space<hbm>>
      tpu.enqueue_dma source(%dma_start3A_46 : memref<128xi32, #tpu.memory_space<hbm>>) target(%arg6 : memref<128xi32, #tpu.memory_space<vmem>>) target_semaphore(%run_scoped3A : memref<!tpu.dma_semaphore, #tpu.memory_space<semaphore_mem>>)
      %dma_wait3A = tpu.memref_slice %arg3[%mul3A_2] : memref<2048xi32, #tpu.memory_space<hbm>> -> memref<128xi32, #tpu.memory_space<hbm>>
      %dma_wait3A_47 = tpu.memref_slice %arg3[%mul3A_2] : memref<2048xi32, #tpu.memory_space<hbm>> -> memref<128xi32, #tpu.memory_space<hbm>>
      tpu.wait_dma2 semaphore(%run_scoped3A : memref<!tpu.dma_semaphore, #tpu.memory_space<semaphore_mem>>) src(%dma_wait3A_47 : memref<128xi32, #tpu.memory_space<hbm>>) dst(%arg6 : memref<128xi32, #tpu.memory_space<vmem>>)
      tpu.yield
    }) : () -> ()
    %iota3A = tpu.iota {dimensions = array<i32: 0>} : vector<16xi32>
    %get3A = arith.constant 16 : index
    %get3A_3 = tpu.vector_load %arg5[%get3A] {strides = array<i32>} : memref<32xf32, #tpu.memory_space<vmem>>, vector<16xf32>,
    %lt3A = arith.constant 12 : i32
    %lt3A_4 = vector.broadcast %lt3A : i32 to vector<16xi32>
    %lt3A_5 = arith.cmpi slt, %iota3A, %lt3A_4 : vector<16xi32>
    %jit3A = arith.constant 0.000000e+00 : f32
    %broadcast_in_dim3A = vector.broadcast %jit3A : f32 to vector<16xf32>
    %select_n3A = arith.select %lt3A_5, %get3A_3, %broadcast_in_dim3A : vector<16xi1>, vector<16xf32>
    %swap3A = arith.constant 16 : index
    %swap3A_6 = tpu.vector_load %arg5[%swap3A] {strides = array<i32>} : memref<32xf32, #tpu.memory_space<vmem>>, vector<16xf32>,
    tpu.vector_store %arg5[%swap3A], %select_n3A {strides = array<i32>} : memref<32xf32, #tpu.memory_space<vmem>>, vector<16xf32>,
    %get3A_7 = arith.constant 0 : index
    %get3A_8 = tpu.vector_load %arg6[%get3A_7] {strides = array<i32>} : memref<128xi32, #tpu.memory_space<vmem>>, vector<16xi32>,
    %gather3A = tpu.vector_load_idx %arg5[%get3A_8] : memref<32xf32, #tpu.memory_space<vmem>>[vector<16xi32>], vector<16xf32>,
    %swap3A_9 = arith.constant 0 : index
    %swap3A_10 = tpu.vector_load %arg7[%swap3A_9] {strides = array<i32>} : memref<128xf32, #tpu.memory_space<vmem>>, vector<16xf32>,
    tpu.vector_store %arg7[%swap3A_9], %gather3A {strides = array<i32>} : memref<128xf32, #tpu.memory_space<vmem>>, vector<16xf32>,
    %get3A_11 = arith.constant 16 : index
    %get3A_12 = tpu.vector_load %arg6[%get3A_11] {strides = array<i32>} : memref<128xi32, #tpu.memory_space<vmem>>, vector<16xi32>,
    %gather3A_13 = tpu.vector_load_idx %arg5[%get3A_12] : memref<32xf32, #tpu.memory_space<vmem>>[vector<16xi32>], vector<16xf32>,
    %swap3A_14 = arith.constant 16 : index
    %swap3A_15 = tpu.vector_load %arg7[%swap3A_14] {strides = array<i32>} : memref<128xf32, #tpu.memory_space<vmem>>, vector<16xf32>,
    tpu.vector_store %arg7[%swap3A_14], %gather3A_13 {strides = array<i32>} : memref<128xf32, #tpu.memory_space<vmem>>, vector<16xf32>,
    %get3A_16 = arith.constant 32 : index
    %get3A_17 = tpu.vector_load %arg6[%get3A_16] {strides = array<i32>} : memref<128xi32, #tpu.memory_space<vmem>>, vector<16xi32>,
    %gather3A_18 = tpu.vector_load_idx %arg5[%get3A_17] : memref<32xf32, #tpu.memory_space<vmem>>[vector<16xi32>], vector<16xf32>,
    %swap3A_19 = arith.constant 32 : index
    %swap3A_20 = tpu.vector_load %arg7[%swap3A_19] {strides = array<i32>} : memref<128xf32, #tpu.memory_space<vmem>>, vector<16xf32>,
    tpu.vector_store %arg7[%swap3A_19], %gather3A_18 {strides = array<i32>} : memref<128xf32, #tpu.memory_space<vmem>>, vector<16xf32>,
    %get3A_21 = arith.constant 48 : index
    %get3A_22 = tpu.vector_load %arg6[%get3A_21] {strides = array<i32>} : memref<128xi32, #tpu.memory_space<vmem>>, vector<16xi32>,
    %gather3A_23 = tpu.vector_load_idx %arg5[%get3A_22] : memref<32xf32, #tpu.memory_space<vmem>>[vector<16xi32>], vector<16xf32>,
    %swap3A_24 = arith.constant 48 : index
    %swap3A_25 = tpu.vector_load %arg7[%swap3A_24] {strides = array<i32>} : memref<128xf32, #tpu.memory_space<vmem>>, vector<16xf32>,
    tpu.vector_store %arg7[%swap3A_24], %gather3A_23 {strides = array<i32>} : memref<128xf32, #tpu.memory_space<vmem>>, vector<16xf32>,
    %get3A_26 = arith.constant 64 : index
    %get3A_27 = tpu.vector_load %arg6[%get3A_26] {strides = array<i32>} : memref<128xi32, #tpu.memory_space<vmem>>, vector<16xi32>,
    %gather3A_28 = tpu.vector_load_idx %arg5[%get3A_27] : memref<32xf32, #tpu.memory_space<vmem>>[vector<16xi32>], vector<16xf32>,
    %swap3A_29 = arith.constant 64 : index
    %swap3A_30 = tpu.vector_load %arg7[%swap3A_29] {strides = array<i32>} : memref<128xf32, #tpu.memory_space<vmem>>, vector<16xf32>,
    tpu.vector_store %arg7[%swap3A_29], %gather3A_28 {strides = array<i32>} : memref<128xf32, #tpu.memory_space<vmem>>, vector<16xf32>,
    %get3A_31 = arith.constant 80 : index
    %get3A_32 = tpu.vector_load %arg6[%get3A_31] {strides = array<i32>} : memref<128xi32, #tpu.memory_space<vmem>>, vector<16xi32>,
    %gather3A_33 = tpu.vector_load_idx %arg5[%get3A_32] : memref<32xf32, #tpu.memory_space<vmem>>[vector<16xi32>], vector<16xf32>,
    %swap3A_34 = arith.constant 80 : index
    %swap3A_35 = tpu.vector_load %arg7[%swap3A_34] {strides = array<i32>} : memref<128xf32, #tpu.memory_space<vmem>>, vector<16xf32>,
    tpu.vector_store %arg7[%swap3A_34], %gather3A_33 {strides = array<i32>} : memref<128xf32, #tpu.memory_space<vmem>>, vector<16xf32>,
    %get3A_36 = arith.constant 96 : index
    %get3A_37 = tpu.vector_load %arg6[%get3A_36] {strides = array<i32>} : memref<128xi32, #tpu.memory_space<vmem>>, vector<16xi32>,
    %gather3A_38 = tpu.vector_load_idx %arg5[%get3A_37] : memref<32xf32, #tpu.memory_space<vmem>>[vector<16xi32>], vector<16xf32>,
    %swap3A_39 = arith.constant 96 : index
    %swap3A_40 = tpu.vector_load %arg7[%swap3A_39] {strides = array<i32>} : memref<128xf32, #tpu.memory_space<vmem>>, vector<16xf32>,
    tpu.vector_store %arg7[%swap3A_39], %gather3A_38 {strides = array<i32>} : memref<128xf32, #tpu.memory_space<vmem>>, vector<16xf32>,
    %get3A_41 = arith.constant 112 : index
    %get3A_42 = tpu.vector_load %arg6[%get3A_41] {strides = array<i32>} : memref<128xi32, #tpu.memory_space<vmem>>, vector<16xi32>,
    %gather3A_43 = tpu.vector_load_idx %arg5[%get3A_42] : memref<32xf32, #tpu.memory_space<vmem>>[vector<16xi32>], vector<16xf32>,
    %swap3A_44 = arith.constant 112 : index
    %swap3A_45 = tpu.vector_load %arg7[%swap3A_44] {strides = array<i32>} : memref<128xf32, #tpu.memory_space<vmem>>, vector<16xf32>,
    tpu.vector_store %arg7[%swap3A_44], %gather3A_43 {strides = array<i32>} : memref<128xf32, #tpu.memory_space<vmem>>, vector<16xf32>,
    "tpu.region"() ({
      %run_scoped3A = tpu.sem_alloc : memref<!tpu.dma_semaphore, #tpu.memory_space<semaphore_mem>>
      %dma_start3A = tpu.memref_slice %arg4[%mul3A_2] : memref<2048xf32, #tpu.memory_space<hbm>> -> memref<128xf32, #tpu.memory_space<hbm>>
      %dma_start3A_46 = tpu.memref_slice %arg4[%mul3A_2] : memref<2048xf32, #tpu.memory_space<hbm>> -> memref<128xf32, #tpu.memory_space<hbm>>
      tpu.enqueue_dma source(%arg7 : memref<128xf32, #tpu.memory_space<vmem>>) target(%dma_start3A_46 : memref<128xf32, #tpu.memory_space<hbm>>) target_semaphore(%run_scoped3A : memref<!tpu.dma_semaphore, #tpu.memory_space<semaphore_mem>>)
      %dma_wait3A = tpu.memref_slice %arg4[%mul3A_2] : memref<2048xf32, #tpu.memory_space<hbm>> -> memref<128xf32, #tpu.memory_space<hbm>>
      %dma_wait3A_47 = tpu.memref_slice %arg4[%mul3A_2] : memref<2048xf32, #tpu.memory_space<hbm>> -> memref<128xf32, #tpu.memory_space<hbm>>
      tpu.wait_dma2 semaphore(%run_scoped3A : memref<!tpu.dma_semaphore, #tpu.memory_space<semaphore_mem>>) src(%arg7 : memref<128xf32, #tpu.memory_space<vmem>>) dst(%dma_wait3A_47 : memref<128xf32, #tpu.memory_space<hbm>>)
      tpu.yield
    }) : () -> ()
    return
  }
}

module attributes {stable_mosaic.version = 14 : i64} {
  func.func @_mul_head_body(%arg0: i32, %arg1: memref<1x28xf32, #tpu.memory_space<vmem>>, %arg2: memref<28x2048xf32, #tpu.memory_space<vmem>>, %arg3: memref<1024x2048xf32, #tpu.memory_space<vmem>>, %arg4: memref<1024x2048xf32, #tpu.memory_space<vmem>>) attributes {dimension_semantics = [#tpu.dimension_semantics<arbitrary>], iteration_bounds = array<i64: 2>, scalar_prefetch = 0 : i64, scratch_operands = 0 : i64, tpu.core_type = #tpu.core_type<tc>, window_params = [{pipeline_mode = #tpu.pipeline_mode<synchronous>, transform_indices = @transform_0, window_bounds = array<i64: 1, 28>}, {pipeline_mode = #tpu.pipeline_mode<synchronous>, transform_indices = @transform_1, window_bounds = array<i64: 28, 2048>}, {transform_indices = @transform_2, window_bounds = array<i64: 1024, 2048>}, {transform_indices = @transform_3, window_bounds = array<i64: 1024, 2048>}]} {
    %get3A = arith.constant 0 : index
    %get3A_0 = arith.constant 0 : index
    %get3A_1 = vector.load %arg1[%get3A, %get3A_0] : memref<1x28xf32, #tpu.memory_space<vmem>>, vector<1x28xf32>
    %get3A_2 = arith.constant 0 : index
    %get3A_3 = arith.constant 0 : index
    %get3A_4 = vector.load %arg2[%get3A_2, %get3A_3] : memref<28x2048xf32, #tpu.memory_space<vmem>>, vector<28x2048xf32>
    %dot_general3A = arith.constant dense<0.000000e+00> : vector<1x2048xf32>
    %dot_general3A_5 = tpu.matmul %get3A_1, %get3A_4, %dot_general3A {dimension_numbers = #tpu.dot_dimension_numbers<[1], [0], [0], [1], [0, 0, 1, 1], [], []>, transpose_lhs_hint = false} : vector<1x28xf32>, vector<28x2048xf32>, vector<1x2048xf32> -> vector<1x2048xf32>
    %get3A_6 = arith.constant 0 : index
    %get3A_7 = arith.constant 0 : index
    %get3A_8 = vector.load %arg3[%get3A_6, %get3A_7] : memref<1024x2048xf32, #tpu.memory_space<vmem>>, vector<1024x2048xf32>
    %mul3A = vector.broadcast %dot_general3A_5 : vector<1x2048xf32> to vector<1024x2048xf32>
    %mul3A_9 = arith.mulf %get3A_8, %mul3A : vector<1024x2048xf32>
    %swap3A = arith.constant 0 : index
    %swap3A_10 = arith.constant 0 : index
    %swap3A_11 = vector.load %arg4[%swap3A, %swap3A_10] : memref<1024x2048xf32, #tpu.memory_space<vmem>>, vector<1024x2048xf32>
    tpu.vector_store %arg4[%swap3A, %swap3A_10], %mul3A_9 {strides = array<i32>} : memref<1024x2048xf32, #tpu.memory_space<vmem>>, vector<1024x2048xf32>,
    return
  }
  func.func @transform_0(%arg0: i32) -> (i32, i32) {
    %c0_i32 = arith.constant 0 : i32
    %c0_i32_0 = arith.constant 0 : i32
    %c0_i32_1 = arith.constant 0 : i32
    return %c0_i32, %c0_i32_0 : i32, i32
  }
  func.func @transform_1(%arg0: i32) -> (i32, i32) {
    %c0_i32 = arith.constant 0 : i32
    %c0_i32_0 = arith.constant 0 : i32
    %c0_i32_1 = arith.constant 0 : i32
    return %c0_i32, %c0_i32_0 : i32, i32
  }
  func.func @transform_2(%arg0: i32) -> (i32, i32) {
    %c0_i32 = arith.constant 0 : i32
    %c0_i32_0 = arith.constant 0 : i32
    return %arg0, %c0_i32 : i32, i32
  }
  func.func @transform_3(%arg0: i32) -> (i32, i32) {
    %c0_i32 = arith.constant 0 : i32
    %c0_i32_0 = arith.constant 0 : i32
    return %arg0, %c0_i32 : i32, i32
  }
}

module attributes {stable_mosaic.version = 14 : i64} {
  func.func @_mul_tail_body(%arg0: i32, %arg1: memref<16384x2048xf32, #tpu.memory_space<any>>, %arg2: memref<1x2048xf32, #tpu.memory_space<vmem>>, %arg3: memref<1024x2048xf32, #tpu.memory_space<vmem>>, %arg4: memref<1024x2048xf32, #tpu.memory_space<vmem>>) attributes {dimension_semantics = [#tpu.dimension_semantics<arbitrary>], iteration_bounds = array<i64: 14>, scalar_prefetch = 0 : i64, scratch_operands = 0 : i64, tpu.core_type = #tpu.core_type<tc>, window_params = [{}, {pipeline_mode = #tpu.pipeline_mode<synchronous>, transform_indices = @transform_1, window_bounds = array<i64: 1, 2048>}, {transform_indices = @transform_2, window_bounds = array<i64: 1024, 2048>}, {transform_indices = @transform_3, window_bounds = array<i64: 1024, 2048>}]} {
    %get3A = arith.constant 0 : index
    %get3A_0 = arith.constant 0 : index
    %get3A_1 = vector.load %arg3[%get3A, %get3A_0] : memref<1024x2048xf32, #tpu.memory_space<vmem>>, vector<1024x2048xf32>
    %get3A_2 = arith.constant 0 : index
    %get3A_3 = arith.constant 0 : index
    %get3A_4 = vector.load %arg2[%get3A_2, %get3A_3] : memref<1x2048xf32, #tpu.memory_space<vmem>>, vector<1x2048xf32>
    %mul3A = vector.broadcast %get3A_4 : vector<1x2048xf32> to vector<1024x2048xf32>
    %mul3A_5 = arith.mulf %get3A_1, %mul3A : vector<1024x2048xf32>
    %swap3A = arith.constant 0 : index
    %swap3A_6 = arith.constant 0 : index
    %swap3A_7 = vector.load %arg4[%swap3A, %swap3A_6] : memref<1024x2048xf32, #tpu.memory_space<vmem>>, vector<1024x2048xf32>
    tpu.vector_store %arg4[%swap3A, %swap3A_6], %mul3A_5 {strides = array<i32>} : memref<1024x2048xf32, #tpu.memory_space<vmem>>, vector<1024x2048xf32>,
    return
  }
  func.func @transform_1(%arg0: i32) -> (i32, i32) {
    %c0_i32 = arith.constant 0 : i32
    %c0_i32_0 = arith.constant 0 : i32
    %c0_i32_1 = arith.constant 0 : i32
    return %c0_i32, %c0_i32_0 : i32, i32
  }
  func.func @transform_2(%arg0: i32) -> (i32, i32) {
    %add3A = arith.constant 2 : i32
    %add3A_0 = arith.addi %arg0, %add3A : i32
    %c0_i32 = arith.constant 0 : i32
    %c0_i32_1 = arith.constant 0 : i32
    return %add3A_0, %c0_i32 : i32, i32
  }
  func.func @transform_3(%arg0: i32) -> (i32, i32) {
    %add3A = arith.constant 2 : i32
    %add3A_0 = arith.addi %arg0, %add3A : i32
    %c0_i32 = arith.constant 0 : i32
    %c0_i32_1 = arith.constant 0 : i32
    return %add3A_0, %c0_i32 : i32, i32
  }
}

</mosaic_0001>

<sc_bundles>
// kernel: kernel.5.cloned.1.call-start
scs
__scs_entry_jumppad:
0x0: {  	(pc) =	sbr.rel $0x88, $3  }
0x1: {  	(tag) =	ssettag $0x0;
	lr =	simm.s32 $0x1  }
0x2: {  	[smem:$0x3F9F] =	sst lr;
	_ =	strace $0xD0000000  }
0x3: {  	_ = 	snop  }
0x4: {  	_ = 	snop  }
0x5: {  	_ = 	snop  }
0x6: {  	_ = 	snop  }
0x7: {  	_ = 	snop  }
__scs_overlays_trampoline_lowered:
0x8: {  	[smem:$0x3FAE] =	sst s0  }
0x9: {  	[smem:$0x3FAF] =	sst s1  }
0xa: {  	[smem:$0x3FB0] =	sst s2  }
0xb: {  	[smem:$0x3FB1] =	sst s3  }
0xc: {  	[smem:$0x3FB2] =	sst s4  }
0xd: {  	[smem:$0x3FB3] =	sst s5  }
0xe: {  	[smem:$0x3FB4] =	sst s6  }
0xf: {  	[smem:$0x3FB5] =	sst s7  }
0x10: {  	[smem:$0x3FB6] =	sst s8  }
0x11: {  	[smem:$0x3FB7] =	sst s9;
	s0 =	simm.s32 @!p0 $0x0  }
0x12: {  	s1 =	sld [smem:$0x3F9D];
	s0 =	simm.s32 @p0 $0x1  }
0x13: {  	[smem:$0x3FB8] =	sst s0;
	s0 =	simm.s32 @!p1 $0x0  }
0x14: {  	s2 =	sld [smem:$0x3F9C];
	s0 =	simm.s32 @p1 $0x1  }
0x15: {  	[smem:$0x3FB9] =	sst s0;
	s0 =	simm.s32 @!p2 $0x0  }
0x16: {  	s3 =	sld [smem:$0x3FDB];
	s0 =	simm.s32 @p2 $0x1  }
0x17: {  	s4 =	simm.s32 $0x1BF5;
	[smem:$0x3FBB] =	sst s0  }
0x18: {  	s0 =	sld [smem:$0x3F9E];
	_ =	swait.ge [sflag:s4], $0x0  }
0x19: {  	s7 =	sld [smem:$0x3F9F]  }
0x1a: {  	s8 =	sadd.s32 $0xFFFFE003, lr  }
0x1b: {  	s9 =	sadd.s32 $0xFFFFFEF7, lr;
	s5 =	simm.s32 $0xFFFFFFFF;
	p2 =	slt.u32 s8, $0xFFFFF086  }
0x1c: {  	p1 =	slt.u32 s9, $0xF7A;
	s5 =	simm.s32 @!p2 $0x0  }
0x1d: {  	s5 =	simm.s32 @p1 $0x1;
	p0 =	seq.s32 s7, s2  }
0x1e: {  	s7 =	smul.u32 @!p0 $0xF7A, s2;
	p2 =	seq.s32 @!p0 s5, $0x0  }
0x1f: {  	s9 =	smul.u32 $0xF7A, s1;
	s8 =	simm.s32 @!p0 $0x1BF5;
	p2 =	por !p2, p0  }
0x20: {  	[sflag:s8] =	ssyncset.s32 @!p0 $0xFFFFF086;
	s6 =	sadd.s32 @!p0 s3, s7;
	s7 =	simm.s32 @!p0 $0x108  }
0x21: {  	s3 =	sadd.s32 s3, s9;
	s6 =	sadd.s32 @!p0 $0x88, s6;
	s7 =	simm.s32 @p2 $0x1082  }
0x22: {  	[simem:s7], [sflag:s8] =	dma.local @!p0 [hbm:s6], $0xF7A  }
0x23: {  	s9 =	sor.u32 $0xD0000000, s2;
	s6 =	simm.s32 $0x108;
	_ =	swait.ge @!p0 [sflag:s8], $0x0  }
0x24: {  	s3 =	sadd.s32 $0x88, s3;
	s6 =	simm.s32 @!p1 $0x1082;
	[sflag:s4] =	ssyncset.s32 $0xFFFFF086  }
0x25: {  	[simem:s6], [sflag:s4] =	dma.local [hbm:s3], $0xF7A  }
0x26: {  	[smem:$0x3F9F] =	sst s1;
	(tag) =	ssettag s2;
	_ =	strace s9  }
0x27: {  	s1 =	sld [smem:$0x3FAF]  }
0x28: {  	s2 =	sld [smem:$0x3FB0]  }
0x29: {  	s4 =	sld [smem:$0x3FB2]  }
0x2a: {  	p0 =	seq.s32 s5, $0x0;
	s5 =	sld [smem:$0x3FB3]  }
0x2b: {  	s6 =	sld [smem:$0x3FB4]  }
0x2c: {  	s7 =	sld [smem:$0x3FB5]  }
0x2d: {  	s3 =	simm.s32 $0x108;
	s8 =	sld [smem:$0x3FB6]  }
0x2e: {  	s3 =	simm.s32 @!p0 $0x1082;
	s9 =	sld [smem:$0x3FB7]  }
0x2f: {  	lr =	sadd.s32 s0, s3;
	s0 =	sld [smem:$0x3FAE]  }
0x30: {  	s3 =	sld [smem:$0x3FB1]  }
0x31: {  	[smem:$0x3FBA] =	sst s10  }
0x32: {  	s10 =	sld [smem:$0x3FB8];
	_ =	sdelay $0x3  }
0x33: {  	p0 =	seq.s32 s10, $0x1;
	s10 =	sld [smem:$0x3FBA];
	_ =	sdelay $0x3  }
0x34: {  	[smem:$0x3FBA] =	sst s10  }
0x35: {  	s10 =	sld [smem:$0x3FB9];
	_ =	sdelay $0x3  }
0x36: {  	p1 =	seq.s32 s10, $0x1;
	s10 =	sld [smem:$0x3FBA];
	_ =	sdelay $0x3  }
0x37: {  	[smem:$0x3FBA] =	sst s10  }
0x38: {  	s10 =	sld [smem:$0x3FBB]  }
0x39: {  	_ = 	snop;
	(pc) =	sbr.ind lr, $3  }
0x3a: {  	_ = 	snop  }
0x3b: {  	_ = 	snop  }
0x3c: {  	p2 =	seq.s32 s10, $0x1;
	s10 =	sld [smem:$0x3FBA]  }
0x3d: {  	_ =	shalt  }
0x3e: {  	_ =	shalt  }
0x3f: {  	_ =	shalt  }
0x40: {  	_ =	shalt  }
0x41: {  	_ =	shalt  }
0x42: {  	_ =	shalt  }
0x43: {  	_ =	shalt  }
0x44: {  	_ =	shalt  }
0x45: {  	_ =	shalt  }
0x46: {  	_ =	shalt  }
0x47: {  	_ =	shalt  }
0x48: {  	_ =	shalt  }
0x49: {  	_ =	shalt  }
0x4a: {  	_ =	shalt  }
0x4b: {  	_ =	shalt  }
0x4c: {  	_ =	shalt  }
0x4d: {  	_ =	shalt  }
0x4e: {  	_ =	shalt  }
0x4f: {  	_ =	shalt  }
0x50: {  	_ =	shalt  }
0x51: {  	_ =	shalt  }
0x52: {  	_ =	shalt  }
0x53: {  	_ =	shalt  }
0x54: {  	_ =	shalt  }
0x55: {  	_ =	shalt  }
0x56: {  	_ =	shalt  }
0x57: {  	_ =	shalt  }
0x58: {  	_ =	shalt  }
0x59: {  	_ =	shalt  }
0x5a: {  	_ =	shalt  }
0x5b: {  	_ =	shalt  }
0x5c: {  	_ =	shalt  }
0x5d: {  	_ =	shalt  }
0x5e: {  	_ =	shalt  }
0x5f: {  	_ =	shalt  }
0x60: {  	_ =	shalt  }
0x61: {  	_ =	shalt  }
0x62: {  	_ =	shalt  }
0x63: {  	_ =	shalt  }
0x64: {  	_ =	shalt  }
0x65: {  	_ =	shalt  }
0x66: {  	_ =	shalt  }
0x67: {  	_ =	shalt  }
0x68: {  	_ =	shalt  }
0x69: {  	_ =	shalt  }
0x6a: {  	_ =	shalt  }
0x6b: {  	_ =	shalt  }
0x6c: {  	_ =	shalt  }
0x6d: {  	_ =	shalt  }
0x6e: {  	_ =	shalt  }
0x6f: {  	_ =	shalt  }
0x70: {  	_ =	shalt  }
0x71: {  	_ =	shalt  }
0x72: {  	_ =	shalt  }
0x73: {  	_ =	shalt  }
0x74: {  	_ =	shalt  }
0x75: {  	_ =	shalt  }
0x76: {  	_ =	shalt  }
0x77: {  	_ =	shalt  }
0x78: {  	_ =	shalt  }
0x79: {  	_ =	shalt  }
0x7a: {  	_ =	shalt  }
0x7b: {  	_ =	shalt  }
0x7c: {  	_ =	shalt  }
0x7d: {  	_ =	shalt  }
0x7e: {  	_ =	shalt  }
0x7f: {  	_ =	shalt  }
0x80: {  	_ =	shalt  }
0x81: {  	_ =	shalt  }
0x82: {  	_ =	shalt  }
0x83: {  	_ =	shalt  }
0x84: {  	_ =	shalt  }
0x85: {  	_ =	shalt  }
0x86: {  	_ =	shalt  }
0x87: {  	_ =	shalt  }
.Lfunc_end0:
.L_simem_size_0:
called_computation_lowered:
.L_overlay_start_0:
0x88: {  	s0 =	sld [smem:$0x3FD9]  }
0x89: {  	s1 =	sld [smem:$0x3FFE];
	_ =	sdelay $0x3  }
0x8a: {  	s0 =	sadd.s32 s1, s0  }
0x8b: {  	[smem:$0x3FC6] =	sst s0  }
0x8c: {  	_ = 	snop  }
0x8d: {  	s0 =	sld [smem:$0x3FC8];
	(tm) =	ssettm $0x1  }
0x8e: {  	s16 =	sld [smem:$0x3FFB];
	_ =	sdelay $0x3  }
0x8f: {  	_ =	strace s16  }
0x90: {  	s1 =	sld [smem:$0x3FFC];
	_ =	sdelay $0x3  }
0x91: {  	_ =	strace s1  }
0x92: {  	s1 =	sld [smem:$0x3FFD];
	_ =	sdelay $0x3  }
0x93: {  	_ =	strace s1  }
0x94: {  	_ =	strace $0x8FFFFFFF  }
0x95: {  	s17 =	sld [smem:$0x3FDB];
	_ =	sdelay $0x1  }
0x96: {  	s2 =	simm.s32 $_scs_section_size  }
0x97: {  	s3 =	simm.s32 $_size__tile_overlayer_lowered;
	s4 =	simm.s32 $_tile_overlayer_lowered  }
0x98: {  	s20 =	simm.s32 $0x1BFF;
	s19 =	sshll.u32 s4, $0x1;
	s1 =	sadd.s32 s2, s17  }
0x99: {  	s5 =	simm.s32 $0x0;
	s18 =	sshll.u32 s3, $0x1;
	s3 =	sadd.s32 s19, s1  }
0x9a: {  	[timem:s5], [sflag:s20] =	dma.local [hbm:s3], s18  }
0x9b: {  	_ =	swait.ge [sflag:s20], s18  }
0x9c: {  	s2 =	ssub.s32 $0x0, s18;
	[sflag:s20] =	ssyncset.done $0x0  }
0x9d: {  	[sflag:s20] =	ssyncadd.s32 s2;
	_ =	sdelay $0x1  }
0x9e: {  	s21 =	simm.s32 $0x1B8B  }
0x9f: {  	_ =	swait.ge [sflag:s21], $0x1  }
0xa0: {  	[sflag:s21] =	ssyncset.done $0x0  }
0xa1: {  	s23 =	simm.s32 $0x1B8E;
	s22 =	sld [smem:$0x3FFE];
	[sflag:s21] =	ssyncadd.s32 $0xFFFFFFFF  }
0xa2: {  	s24 =	simm.s32 $execute0_lowered;
	[smem:$0x3FD2] =	sst s23  }
0xa3: {  	s3 =	sshll.u32 s24, $0x1;
	_ =	strace $0x80000046;
	[dreg:$0x1] =	wrdreg $0xFFFFFFFF  }
0xa4: {  	s25 =	simm.s32 $_size_execute0_lowered;
	s1 =	sadd.s32 s1, s3;
	[dreg:$0x0] =	wrdreg $0x0  }
0xa5: {  	s3 =	sshll.u32 s25, $0x1;
	[dreg:$0x2] =	wrdreg s1  }
0xa6: {  	[dreg:$0x3] =	wrdreg s3  }
0xa7: {  	[dreg:$0x4] =	wrdreg $0xC0  }
0xa8: {  	_ =	task [dreg:s5], $0x5FFFF  }
0xa9: {  	[dreg:$0x1] =	wrdreg $0xFFFFFFFF  }
0xaa: {  	[dreg:$0x0] =	wrdreg $0x60  }
0xab: {  	[dreg:$0x2] =	wrdreg s0  }
0xac: {  	[dreg:$0x3] =	wrdreg s22  }
0xad: {  	[dreg:$0x4] =	wrdreg $0x9  }
0xae: {  	_ =	task.clear_ibuf [dreg:s5], $0x5FFFF;
	_ =	strace $0x90000046  }
0xaf: {  	s26 =	simm.s32 $0x9;
	_ =	strace $0x80000048  }
0xb0: {  	_ =	swait.ge [sflag:s26], $0x1  }
0xb1: {  	[sflag:s26] =	ssyncadd.s32 $0xFFFFFFFF  }
0xb2: {  	_ =	strace $0x90000048  }
0xb3: {  	_ =	sfence  }
0xb4: {  	s28 =	sld [smem:$0x0];
	_ =	sdelay $0x1  }
0xb5: {  	s29 =	srdreg.scid  }
0xb6: {  	s30 =	sshll.u32 s29, $0xD;
	s31 =	sshrl.u32 s29, $0x2  }
0xb7: {  	s2 =	sand.u32 $0x4000, s30;
	s1 =	sand.u32 $0x1, s29;
	s0 =	sadd.s32 s31, s28  }
0xb8: {  	s1 =	sor.u32 s2, s1;
	s0 =	sshll.u32 s0, $0x11  }
0xb9: {  	s0 =	sor.u32 s0, s1  }
0xba: {  	s0 =	sadd.s32 $0x8F2B, s0  }
0xbb: {  	[sflag:s0] =	ssyncadd.remote.s32 $0x1  }
0xbc: {  	_ =	sfence.sel $0xFFFF  }
0xbd: {  	[dreg:$0x0] =	wrdreg $0xFFFFFFFF;
	(pc) =	sbr.abs _section_cstart, $3  }
0xbe: {  	[dreg:$0x1] =	wrdreg $0xFFFFFFFF  }
0xbf: {  	_ =	task.clear_ibuf [dreg:s5], $0x2FFFF;
	_ =	strace $0x9FFFFFFF  }
0xc0: {  	(tm) =	ssettm $0x7FFFFFFF  }
0xc1: {  	_ =	shalt  }
tec
execute0_lowered:
.L_overlay_start_1:
0x0: {  	(tag) =	ssettag $0x1  }
0x1: {  	s0 =	rddreg [dreg:$0x0]  }
0x2: {  	s1 =	rddreg [dreg:$0x1]  }
0x3: {  	s2 =	rddreg [dreg:$0x2];
	s3 =	simm.s32 $0x0  }
0x4: {  	[smem:$0x7FF] =	sst s3  }
0x5: {  	s30 =	stileid.u32;
	s4 =	simm.s32 $0x1;
	_ =	strace $0x80000047  }
0x6: {  	[tilespmem:s3], [sflag:$0x1] =	stream.linear.gather [hbm4b:s0+s3], $0x1C, $0x38;
	[tilespmem:$0x180] =	vst v63  }
0x7: {  	s5 =	sshll.u32 s30, $0x4;
	_ =	swait.ge [sflag:s4], $0x1C  }
0x8: {  	s1 =	sadd.s32 s5, s1;
	[sflag:s4] =	ssyncset.done $0x0  }
0x9: {  	s6 =	simm.s32 $0x80;
	s5 =	sadd.s32 $0xA00, s1;
	[sflag:s4] =	ssyncadd.s32 $0xFFFFFFE4  }
0xa: {  	[tilespmem:s6], [sflag:$0x1] =	stream.linear.gather [hbm4b:s5+s3], $0x80, $0x38;
	[tilespmem:$0x180] =	vst v63  }
0xb: {  	_ =	swait.ge [sflag:s4], $0x80  }
0xc: {  	[sflag:s4] =	ssyncset.done $0x0  }
0xd: {  	[sflag:s4] =	ssyncadd.s32 $0xFFFFFF80  }
0xe: {  	v0 =	vld [tilespmem:$0x80]  }
0xf: {  	v1 =	vld [tilespmem:$0x10];
	_ =	sdelay $0x3  }
0x10: {  	vm0 =	vmmov $0xfff  }
0x11: {  	v2 =	vld [tilespmem:$0x90];
	v1 =	vnsel vm0, $0x0, v1  }
0x12: {  	[tilespmem:$0x10] =	vst v1  }
0x13: {  	v0 =	vld.idx.msk [tilespmem:v0+s3+$0x0], $0xffff;
	_ =	sdelay $0x3  }
0x14: {  	v58 =	vld [tilespmem:$0xA0]  }
0x15: {  	[tilespmem:$0x100] =	vst v0  }
0x16: {  	v0 =	vld.idx.msk [tilespmem:v2+s3+$0x0], $0xffff;
	_ =	sdelay $0x3  }
0x17: {  	v59 =	vld [tilespmem:$0xB0]  }
0x18: {  	[tilespmem:$0x110] =	vst v0  }
0x19: {  	v0 =	vld.idx.msk [tilespmem:v58+s3+$0x0], $0xffff;
	_ =	sdelay $0x3  }
0x1a: {  	v60 =	vld [tilespmem:$0xC0]  }
0x1b: {  	[tilespmem:$0x120] =	vst v0  }
0x1c: {  	v0 =	vld.idx.msk [tilespmem:v59+s3+$0x0], $0xffff;
	_ =	sdelay $0x3  }
0x1d: {  	v61 =	vld [tilespmem:$0xD0]  }
0x1e: {  	[tilespmem:$0x130] =	vst v0  }
0x1f: {  	v0 =	vld.idx.msk [tilespmem:v60+s3+$0x0], $0xffff;
	_ =	sdelay $0x3  }
0x20: {  	v62 =	vld [tilespmem:$0xE0]  }
0x21: {  	[tilespmem:$0x140] =	vst v0  }
0x22: {  	v0 =	vld.idx.msk [tilespmem:v61+s3+$0x0], $0xffff;
	_ =	sdelay $0x3  }
0x23: {  	v63 =	vld [tilespmem:$0xF0]  }
0x24: {  	[tilespmem:$0x150] =	vst v0  }
0x25: {  	v0 =	vld.idx.msk [tilespmem:v62+s3+$0x0], $0xffff;
	_ =	sdelay $0x4  }
0x26: {  	[tilespmem:$0x160] =	vst v0  }
0x27: {  	v0 =	vld.idx.msk [tilespmem:v63+s3+$0x0], $0xffff;
	_ =	sdelay $0x4  }
0x28: {  	s31 =	simm.s32 $0x100;
	s1 =	sadd.s32 $0xC00, s1;
	[tilespmem:$0x170] =	vst v0  }
0x29: {  	[hbm4b:s1+s3] =	stream.linear.scatter [tilespmem:s31], [sflag:$0x1], $0x80, $0x38;
	[tilespmem:$0x180] =	vst v63  }
0x2a: {  	_ =	swait.ge [sflag:s4], $0x80  }
0x2b: {  	[sflag:s4] =	ssyncset.done $0x0  }
0x2c: {  	[sflag:s4] =	ssyncadd.s32 $0xFFFFFF80  }
0x2d: {  	_ =	sfence.sel $0x180000  }
0x2e: {  	[bflag:$0x0] =	sbarrier.arrive $0xFFFF  }
0x2f: {  	p0 =	sne.s32 s30, $0x0;
	_ =	strace $0x90000047  }
0x30: {  	s0 =	sadd.s32 @!p0 $0x100000, s2;
	[bflag:$0x2] =	sbarrier.arrive $0xFFFF  }
0x31: {  	[sflag:s0] =	ssyncadd.tile.s32 @!p0 $0x1;
	_ =	shalt  }
.Lfunc_end2:
_tile_overlayer_lowered:
.L_overlay_start_2:
0x32: {  	(tag) =	ssettag $0x2  }
0x33: {  	s0 =	rddreg [dreg:$0x0];
	s2 =	stileid.u32  }
0x34: {  	s1 =	rddreg [dreg:$0x1];
	p0 =	sne.s32 s2, $0x0  }
0x35: {  	s3 =	rddreg [dreg:$0x2];
	[bflag:$0x3] =	sbarrier.arrive $0xFFFF;
	s2 =	simm.s32 @!p0 $0x1C01  }
0x36: {  	[timem:s3], [sflag:s2] =	dma.local @!p0 [hbm:s0], s1  }
0x37: {  	s0 =	simm.s32 @!p0 $0x1  }
0x38: {  	_ =	swait.ge @!p0 [sflag:s0], s1  }
0x39: {  	s1 =	ssub.s32 @!p0 $0x0, s1;
	[sflag:s0] =	ssyncset.done @!p0 $0x0  }
0x3a: {  	[sflag:s0] =	ssyncadd.s32 @!p0 s1  }
0x3b: {  	[bflag:$0x3] =	sbarrier.arrive $0xFFFF  }
0x3c: {  	_ =	shalt  }

</sc_bundles>
